<compile_context>
chip_gen: v7x
topology: tpu7x:2x2x1
jax: 0.10.2.dev20260603
libtpu: 0.0.44.dev20260713+nightly
codegen_flags: <defaults>
</compile_context>

<pallas_src>
import functools

import numpy as np
import jax
from jax import lax
import jax.numpy as jnp
from jax.experimental import pallas as pl
from jax.experimental.pallas import tpu as pltpu
from jax.experimental.pallas import tpu_sc as plsc

_N = 512
_D = 4096
_CHUNK = 2048
_NCHUNKS = _D // _CHUNK
_SLOTS = 3
_NSUB = 16
_ROWS_PER = _N // _NSUB
_LANES = 16


def _triplet_columns(n):
    labels = list(range(int(n / 2))) + list(range(int(n / 2)))
    rng = np.random.RandomState(0)
    triplets = []
    for i in range(len(labels)):
        triplets_i = []
        for j in range(len(labels)):
            if labels[i] == labels[j] and i != j:
                for k in range(len(labels)):
                    if labels[i] != labels[k]:
                        triplets_i.append([i, j, k])
        rng.shuffle(triplets_i)
        triplets += triplets_i[:3]
    trip = np.asarray(triplets, dtype=np.int32)
    jj = np.zeros((_SLOTS, n), dtype=np.int32)
    kk = np.zeros((_SLOTS, n), dtype=np.int32)
    fill = np.zeros((n,), dtype=np.int64)
    for (i, j, k) in trip:
        m = fill[i]
        jj[m, i] = j
        kk[m, i] = k
        fill[i] += 1
    assert (fill == _SLOTS).all()
    return jj, kk, trip.shape[0]


_JJ, _KK, _NUM_TRIPLETS = _triplet_columns(_N)
_IDX_SC = np.zeros((_NSUB, 8, _ROWS_PER), dtype=np.int32)
for _m in range(_SLOTS):
    _IDX_SC[:, _m, :] = _JJ[_m].reshape(_NSUB, _ROWS_PER)
    _IDX_SC[:, 4 + _m, :] = _KK[_m].reshape(_NSUB, _ROWS_PER)
_IDX_SC_FLAT = _IDX_SC.reshape(-1)
_IDX_PER_SUB = 8 * _ROWS_PER


def _dist_kernel(x_ref, out_ref, acc_ref):
    d = pl.program_id(0)
    xc = x_ref[...].astype(jnp.bfloat16)
    part = jax.lax.dot_general(
        xc, xc,
        dimension_numbers=(((1,), (1,)), ((), ())),
        preferred_element_type=jnp.float32,
    )

    @pl.when(d == 0)
    def _init():
        acc_ref[...] = part

    @pl.when(d > 0)
    def _accum():
        acc_ref[...] += part

    @pl.when(d == _NCHUNKS - 1)
    def _epilogue():
        gram = acc_ref[...]
        rows = jax.lax.broadcasted_iota(jnp.int32, (_N, _N), 0)
        cols = jax.lax.broadcasted_iota(jnp.int32, (_N, _N), 1)
        diag = jnp.where(rows == cols, gram, 0.0)
        xn_col = jnp.sum(diag, axis=1, keepdims=True)
        xn_row = jnp.sum(diag, axis=0, keepdims=True)
        out_ref[...] = jnp.maximum(xn_col + xn_row - 2.0 * gram, 0.0)


_sc_mesh = plsc.VectorSubcoreMesh(
    core_axis_name="c", subcore_axis_name="s", num_cores=1, num_subcores=_NSUB
)


@functools.partial(
    pl.kernel,
    out_type=(
        jax.ShapeDtypeStruct((_NSUB, _LANES), jnp.float32),
        jax.ShapeDtypeStruct((_LANES,), jnp.float32),
    ),
    mesh=_sc_mesh,
    scratch_types=[
        pltpu.VMEM((_ROWS_PER, _N), jnp.float32),
        pltpu.VMEM((_IDX_PER_SUB,), jnp.int32),
        pltpu.VMEM((_LANES,), jnp.float32),
        pltpu.VMEM((_NSUB, _LANES), jnp.float32),
        pltpu.VMEM((_LANES,), jnp.float32),
    ],
    compiler_params=pltpu.CompilerParams(needs_layout_passes=False),
)
def _sc_loss(dist_hbm, idx_hbm, stage_hbm, out_hbm, rows_v, idx_v, acc_v, all_v, out_v):
    s = lax.axis_index("s")
    pltpu.sync_copy(dist_hbm.at[pl.ds(s * _ROWS_PER, _ROWS_PER), :], rows_v)
    pltpu.sync_copy(idx_hbm.at[pl.ds(s * _IDX_PER_SUB, _IDX_PER_SUB)], idx_v)

    def _gm_body(t, acc):
        g = t // _SLOTS
        m = t - g * _SLOTS
        row_idx = lax.iota(jnp.int32, _LANES) + g * _LANES
        jj = idx_v[pl.ds(m * _ROWS_PER + g * _LANES, _LANES)]
        kk = idx_v[pl.ds((4 + m) * _ROWS_PER + g * _LANES, _LANES)]
        dj = plsc.load_gather(rows_v, [row_idx, jj])
        dk = plsc.load_gather(rows_v, [row_idx, kk])
        delta = dj - dk
        t_ = jnp.exp(-jnp.abs(delta))
        z = t_ / (2.0 + t_)
        z2 = z * z
        log1p = 2.0 * z * (1.0 + z2 * (1.0 / 3.0 + z2 * 0.2))
        return acc + jnp.maximum(delta, 0.0) + log1p

    acc = lax.fori_loop(
        0, (_ROWS_PER // _LANES) * _SLOTS, _gm_body,
        jnp.zeros((_LANES,), jnp.float32),
    )
    acc_v[...] = acc
    pltpu.sync_copy(acc_v, stage_hbm.at[s])
    plsc.subcore_barrier()

    @pl.when(s == 0)
    def _reduce():
        pltpu.sync_copy(stage_hbm, all_v)
        tot = lax.fori_loop(
            0, _NSUB, lambda r, tv: tv + all_v[r, :],
            jnp.zeros((_LANES,), jnp.float32),
        )
        loss = jnp.sum(tot, axis=0) * (1.0 / float(_NUM_TRIPLETS))
        out_v[...] = jnp.full((_LANES,), loss, dtype=jnp.float32)
        pltpu.sync_copy(out_v, out_hbm)


@jax.jit
def kernel(x):
    dist = pl.pallas_call(
        _dist_kernel,
        grid=(_NCHUNKS,),
        out_shape=jax.ShapeDtypeStruct((_N, _N), jnp.float32),
        in_specs=[pl.BlockSpec((_N, _CHUNK), lambda d: (0, d))],
        out_specs=pl.BlockSpec((_N, _N), lambda d: (0, 0)),
        scratch_shapes=[pltpu.VMEM((_N, _N), jnp.float32)],
    )(x)
    _, out16 = _sc_loss(dist, jnp.asarray(_IDX_SC_FLAT))
    return out16[0:1]

# --- scband reference (transcript-rebuilt; emitter-appended) ---
"""Pipeline reference for scband-triplet-loss-14800457302034 (READ-ONLY COPY).

The authoritative reference and input builder live on the scoring server;
editing this copy changes nothing except your own understanding.
"""

import jax, jax.numpy as jnp
import numpy as np

N = 512
D = 4096


def _make_triplets(n):
    # Faithful port of MyTripletLossFunc.random_triplets with a fixed seed
    # (triplet structure depends only on n, not on feature values).
    labels = list(range(int(n / 2))) + list(range(int(n / 2)))
    rng = np.random.RandomState(0)
    triplets = []
    for i in range(len(labels)):
        triplets_i = []
        for j in range(len(labels)):
            if labels[i] == labels[j] and i != j:
                for k in range(len(labels)):
                    if labels[i] != labels[k]:
                        triplets_i.append([i, j, k])
        rng.shuffle(triplets_i)
        triplets += triplets_i[:3]
    assert triplets and len(triplets) < 2000
    return np.asarray(triplets, dtype=np.int32)


def setup_inputs(seed: int = 0) -> dict:
    key = jax.random.key(seed)
    x = jax.random.normal(key, (N, D), dtype=jnp.float32)
    return {"x": x}


def reference(x):
    trip = _make_triplets(x.shape[0])
    ii = jnp.asarray(trip[:, 0])
    jj = jnp.asarray(trip[:, 1])
    kk = jnp.asarray(trip[:, 2])
    # pairwise_distances(x): ||xi - xj||^2, clamped at 0
    x_norm = jnp.sum(x ** 2, axis=1)
    dist = x_norm[:, None] + x_norm[None, :] - 2.0 * (x @ x.T)
    dist = jnp.clip(dist, 0.0, None)
    d_ij = dist[ii, jj]
    d_ik = dist[ii, kk]
    # log(1 + exp(d_ij - d_ik)), computed stably (mathematically identical)
    per_triplet = jnp.logaddexp(0.0, d_ij - d_ik)
    triplet_count = float(trip.shape[0])  # all weights w = 1.0
    loss = jnp.sum(per_triplet) / triplet_count
    return jnp.reshape(loss.astype(jnp.float32), (1,))

if __name__ == "__main__":
    import jax
    _d = setup_inputs()
    print(jax.jit(kernel)(*tuple(_d.values())))

</pallas_src>

<mosaic_0001>
#map = affine_map<(d0, d1) -> (0, 0)>
#map1 = affine_map<(d0, d1) -> (0)>
module attributes {stable_mosaic.version = 14 : i64} {
  func.func @_sc_loss(%arg0: i32, %arg1: i32, %arg2: memref<512x512xf32, #tpu.memory_space<hbm>>, %arg3: memref<4096xi32, #tpu.memory_space<hbm>>, %arg4: memref<16x16xf32, #tpu.memory_space<hbm>>, %arg5: memref<16xf32, #tpu.memory_space<hbm>>, %arg6: memref<32x512xf32, #tpu.memory_space<vmem>>, %arg7: memref<256xi32, #tpu.memory_space<vmem>>, %arg8: memref<16xf32, #tpu.memory_space<vmem>>, %arg9: memref<16x16xf32, #tpu.memory_space<vmem>>, %arg10: memref<16xf32, #tpu.memory_space<vmem>>) attributes {dimension_semantics = [#tpu.dimension_semantics<core_parallel>, #tpu.dimension_semantics<subcore_parallel>], iteration_bounds = array<i64: 1, 16>, scalar_prefetch = 0 : i64, scratch_operands = 5 : i64, tpu.core_type = #tpu.core_type<sc_vector_subcore>, window_params = [{transform_indices = #map}, {transform_indices = #map1}, {transform_indices = #map}, {transform_indices = #map1}]} {
    %mul3A = arith.constant 32 : i32
    %mul3A_0 = arith.muli %arg1, %mul3A : i32
    "tpu.region"() ({
      %run_scoped3A = tpu.sem_alloc : memref<!tpu.dma_semaphore, #tpu.memory_space<semaphore_mem>>
      %dma_start3A = arith.constant 0 : i32
      %dma_start3A_12 = tpu.memref_slice %arg2[%mul3A_0, %dma_start3A] : memref<512x512xf32, #tpu.memory_space<hbm>> -> memref<32x512xf32, #tpu.memory_space<hbm>>
      %dma_start3A_13 = arith.constant 0 : i32
      %dma_start3A_14 = tpu.memref_slice %arg2[%mul3A_0, %dma_start3A_13] : memref<512x512xf32, #tpu.memory_space<hbm>> -> memref<32x512xf32, #tpu.memory_space<hbm>>
      tpu.enqueue_dma source(%dma_start3A_14 : memref<32x512xf32, #tpu.memory_space<hbm>>) target(%arg6 : memref<32x512xf32, #tpu.memory_space<vmem>>) target_semaphore(%run_scoped3A : memref<!tpu.dma_semaphore, #tpu.memory_space<semaphore_mem>>)
      %dma_wait3A = arith.constant 0 : i32
      %dma_wait3A_15 = tpu.memref_slice %arg2[%mul3A_0, %dma_wait3A] : memref<512x512xf32, #tpu.memory_space<hbm>> -> memref<32x512xf32, #tpu.memory_space<hbm>>
      %dma_wait3A_16 = arith.constant 0 : i32
      %dma_wait3A_17 = tpu.memref_slice %arg2[%mul3A_0, %dma_wait3A_16] : memref<512x512xf32, #tpu.memory_space<hbm>> -> memref<32x512xf32, #tpu.memory_space<hbm>>
      tpu.wait_dma2 semaphore(%run_scoped3A : memref<!tpu.dma_semaphore, #tpu.memory_space<semaphore_mem>>) src(%dma_wait3A_17 : memref<32x512xf32, #tpu.memory_space<hbm>>) dst(%arg6 : memref<32x512xf32, #tpu.memory_space<vmem>>)
      tpu.yield
    }) : () -> ()
    %mul3A_1 = arith.constant 256 : i32
    %mul3A_2 = arith.muli %arg1, %mul3A_1 : i32
    "tpu.region"() ({
      %run_scoped3A = tpu.sem_alloc : memref<!tpu.dma_semaphore, #tpu.memory_space<semaphore_mem>>
      %dma_start3A = tpu.memref_slice %arg3[%mul3A_2] : memref<4096xi32, #tpu.memory_space<hbm>> -> memref<256xi32, #tpu.memory_space<hbm>>
      %dma_start3A_12 = tpu.memref_slice %arg3[%mul3A_2] : memref<4096xi32, #tpu.memory_space<hbm>> -> memref<256xi32, #tpu.memory_space<hbm>>
      tpu.enqueue_dma source(%dma_start3A_12 : memref<256xi32, #tpu.memory_space<hbm>>) target(%arg7 : memref<256xi32, #tpu.memory_space<vmem>>) target_semaphore(%run_scoped3A : memref<!tpu.dma_semaphore, #tpu.memory_space<semaphore_mem>>)
      %dma_wait3A = tpu.memref_slice %arg3[%mul3A_2] : memref<4096xi32, #tpu.memory_space<hbm>> -> memref<256xi32, #tpu.memory_space<hbm>>
      %dma_wait3A_13 = tpu.memref_slice %arg3[%mul3A_2] : memref<4096xi32, #tpu.memory_space<hbm>> -> memref<256xi32, #tpu.memory_space<hbm>>
      tpu.wait_dma2 semaphore(%run_scoped3A : memref<!tpu.dma_semaphore, #tpu.memory_space<semaphore_mem>>) src(%dma_wait3A_13 : memref<256xi32, #tpu.memory_space<hbm>>) dst(%arg7 : memref<256xi32, #tpu.memory_space<vmem>>)
      tpu.yield
    }) : () -> ()
    %broadcast_in_dim3A = arith.constant 0.000000e+00 : f32
    %broadcast_in_dim3A_3 = vector.broadcast %broadcast_in_dim3A : f32 to vector<16xf32>
    %scan3A = arith.constant 0 : i32
    %scan3A_4 = arith.constant 6 : i32
    %scan3A_5 = arith.addi %scan3A, %scan3A_4 : i32
    %scan3A_6 = arith.constant 1 : i32
    %scan3A_7 = scf.for %scan3A_12 = %scan3A to %scan3A_5 step %scan3A_6 iter_args(%scan3A_13 = %broadcast_in_dim3A_3) -> (vector<16xf32>)  : i32 {
      %jit3A = arith.constant 3 : i32
      %div3A = arith.divsi %scan3A_12, %jit3A : i32
      %sign3A = arith.constant 0 : i32
      %sign3A_14 = arith.cmpi sgt, %scan3A_12, %sign3A : i32
      %sign3A_15 = arith.extui %sign3A_14 : i1 to i32
      %sign3A_16 = arith.constant 0 : i32
      %sign3A_17 = arith.cmpi slt, %scan3A_12, %sign3A_16 : i32
      %sign3A_18 = arith.extui %sign3A_17 : i1 to i32
      %sign3A_19 = arith.subi %sign3A_15, %sign3A_18 : i32
      %sign3A_20 = arith.constant 0 : i32
      %sign3A_21 = arith.cmpi sgt, %jit3A, %sign3A_20 : i32
      %sign3A_22 = arith.extui %sign3A_21 : i1 to i32
      %sign3A_23 = arith.constant 0 : i32
      %sign3A_24 = arith.cmpi slt, %jit3A, %sign3A_23 : i32
      %sign3A_25 = arith.extui %sign3A_24 : i1 to i32
      %sign3A_26 = arith.subi %sign3A_22, %sign3A_25 : i32
      %ne3A = arith.cmpi ne, %sign3A_19, %sign3A_26 : i32
      %rem3A = arith.remsi %scan3A_12, %jit3A : i32
      %ne3A_27 = arith.constant 0 : i32
      %ne3A_28 = arith.cmpi ne, %rem3A, %ne3A_27 : i32
      %and3A = arith.andi %ne3A, %ne3A_28 : i1
      %sub3A = arith.constant 1 : i32
      %sub3A_29 = arith.subi %div3A, %sub3A : i32
      %select_n3A = arith.select %and3A, %sub3A_29, %div3A : i32
      %mul3A_30 = arith.constant 3 : i32
      %mul3A_31 = arith.muli %select_n3A, %mul3A_30 : i32
      %sub3A_32 = arith.subi %scan3A_12, %mul3A_31 : i32
      %iota3A = tpu.iota {dimensions = array<i32: 0>} : vector<16xi32>
      %mul3A_33 = arith.constant 16 : i32
      %mul3A_34 = arith.muli %select_n3A, %mul3A_33 : i32
      %add3A = vector.broadcast %mul3A_34 : i32 to vector<16xi32>
      %add3A_35 = arith.addi %iota3A, %add3A : vector<16xi32>
      %mul3A_36 = arith.constant 32 : i32
      %mul3A_37 = arith.muli %sub3A_32, %mul3A_36 : i32
      %mul3A_38 = arith.constant 16 : i32
      %mul3A_39 = arith.muli %select_n3A, %mul3A_38 : i32
      %add3A_40 = arith.addi %mul3A_37, %mul3A_39 : i32
      %get3A = arith.index_cast %add3A_40 : i32 to index
      %get3A_41 = tpu.vector_load %arg7[%get3A] {strides = array<i32>} : memref<256xi32, #tpu.memory_space<vmem>>, vector<16xi32>,
      %add3A_42 = arith.constant 4 : i32
      %add3A_43 = arith.addi %add3A_42, %sub3A_32 : i32
      %mul3A_44 = arith.constant 32 : i32
      %mul3A_45 = arith.muli %add3A_43, %mul3A_44 : i32
      %mul3A_46 = arith.constant 16 : i32
      %mul3A_47 = arith.muli %select_n3A, %mul3A_46 : i32
      %add3A_48 = arith.addi %mul3A_45, %mul3A_47 : i32
      %get3A_49 = arith.index_cast %add3A_48 : i32 to index
      %get3A_50 = tpu.vector_load %arg7[%get3A_49] {strides = array<i32>} : memref<256xi32, #tpu.memory_space<vmem>>, vector<16xi32>,
      %gather3A = tpu.vector_load_idx %arg6[%add3A_35, %get3A_41] : memref<32x512xf32, #tpu.memory_space<vmem>>[vector<16xi32>, vector<16xi32>], vector<16xf32>,
      %gather3A_51 = tpu.vector_load_idx %arg6[%add3A_35, %get3A_50] : memref<32x512xf32, #tpu.memory_space<vmem>>[vector<16xi32>, vector<16xi32>], vector<16xf32>,
      %sub3A_52 = arith.subf %gather3A, %gather3A_51 : vector<16xf32>
      %abs3A = math.absf %sub3A_52 : vector<16xf32>
      %neg3A = arith.constant 0.000000e+00 : f32
      %neg3A_53 = vector.broadcast %neg3A : f32 to vector<16xf32>
      %neg3A_54 = arith.subf %neg3A_53, %abs3A : vector<16xf32>
      %exp3A = math.exp %neg3A_54 : vector<16xf32>
      %add3A_55 = arith.constant 2.000000e+00 : f32
      %add3A_56 = vector.broadcast %add3A_55 : f32 to vector<16xf32>
      %add3A_57 = arith.addf %add3A_56, %exp3A : vector<16xf32>
      %div3A_58 = arith.divf %exp3A, %add3A_57 : vector<16xf32>
      %mul3A_59 = arith.mulf %div3A_58, %div3A_58 : vector<16xf32>
      %mul3A_60 = arith.constant 2.000000e+00 : f32
      %mul3A_61 = vector.broadcast %mul3A_60 : f32 to vector<16xf32>
      %mul3A_62 = arith.mulf %mul3A_61, %div3A_58 : vector<16xf32>
      %mul3A_63 = arith.constant 2.000000e-01 : f32
      %mul3A_64 = vector.broadcast %mul3A_63 : f32 to vector<16xf32>
      %mul3A_65 = arith.mulf %mul3A_59, %mul3A_64 : vector<16xf32>
      %add3A_66 = arith.constant 0.333333343 : f32
      %add3A_67 = vector.broadcast %add3A_66 : f32 to vector<16xf32>
      %add3A_68 = arith.addf %add3A_67, %mul3A_65 : vector<16xf32>
      %mul3A_69 = arith.mulf %mul3A_59, %add3A_68 : vector<16xf32>
      %add3A_70 = arith.constant 1.000000e+00 : f32
      %add3A_71 = vector.broadcast %add3A_70 : f32 to vector<16xf32>
      %add3A_72 = arith.addf %add3A_71, %mul3A_69 : vector<16xf32>
      %mul3A_73 = arith.mulf %mul3A_62, %add3A_72 : vector<16xf32>
      %max3A = arith.constant 0.000000e+00 : f32
      %max3A_74 = vector.broadcast %max3A : f32 to vector<16xf32>
      %max3A_75 = arith.maximumf %sub3A_52, %max3A_74 : vector<16xf32>
      %add3A_76 = arith.addf %scan3A_13, %max3A_75 : vector<16xf32>
      %add3A_77 = arith.addf %add3A_76, %mul3A_73 : vector<16xf32>
      scf.yield %add3A_77 : vector<16xf32>
    }
    %scan3A_8 = arith.constant 6 : i32
    %swap3A = arith.constant 0 : index
    %swap3A_9 = tpu.vector_load %arg8[%swap3A] {strides = array<i32>} : memref<16xf32, #tpu.memory_space<vmem>>, vector<16xf32>,
    tpu.vector_store %arg8[%swap3A], %scan3A_7 {strides = array<i32>} : memref<16xf32, #tpu.memory_space<vmem>>, vector<16xf32>,
    "tpu.region"() ({
      %run_scoped3A = tpu.sem_alloc : memref<!tpu.dma_semaphore, #tpu.memory_space<semaphore_mem>>
      %dma_start3A = arith.constant 0 : i32
      %dma_start3A_12 = tpu.memref_slice %arg4[%arg1, %dma_start3A] : memref<16x16xf32, #tpu.memory_space<hbm>> -> memref<1x16xf32, #tpu.memory_space<hbm>>
      %dma_start3A_13 = tpu.memref_squeeze %dma_start3A_12 : memref<1x16xf32, #tpu.memory_space<hbm>> -> memref<16xf32, #tpu.memory_space<hbm>>
      %dma_start3A_14 = arith.constant 0 : i32
      %dma_start3A_15 = tpu.memref_slice %arg4[%arg1, %dma_start3A_14] : memref<16x16xf32, #tpu.memory_space<hbm>> -> memref<1x16xf32, #tpu.memory_space<hbm>>
      %dma_start3A_16 = tpu.memref_squeeze %dma_start3A_15 : memref<1x16xf32, #tpu.memory_space<hbm>> -> memref<16xf32, #tpu.memory_space<hbm>>
      tpu.enqueue_dma source(%arg8 : memref<16xf32, #tpu.memory_space<vmem>>) target(%dma_start3A_16 : memref<16xf32, #tpu.memory_space<hbm>>) target_semaphore(%run_scoped3A : memref<!tpu.dma_semaphore, #tpu.memory_space<semaphore_mem>>)
      %dma_wait3A = arith.constant 0 : i32
      %dma_wait3A_17 = tpu.memref_slice %arg4[%arg1, %dma_wait3A] : memref<16x16xf32, #tpu.memory_space<hbm>> -> memref<1x16xf32, #tpu.memory_space<hbm>>
      %dma_wait3A_18 = tpu.memref_squeeze %dma_wait3A_17 : memref<1x16xf32, #tpu.memory_space<hbm>> -> memref<16xf32, #tpu.memory_space<hbm>>
      %dma_wait3A_19 = arith.constant 0 : i32
      %dma_wait3A_20 = tpu.memref_slice %arg4[%arg1, %dma_wait3A_19] : memref<16x16xf32, #tpu.memory_space<hbm>> -> memref<1x16xf32, #tpu.memory_space<hbm>>
      %dma_wait3A_21 = tpu.memref_squeeze %dma_wait3A_20 : memref<1x16xf32, #tpu.memory_space<hbm>> -> memref<16xf32, #tpu.memory_space<hbm>>
      tpu.wait_dma2 semaphore(%run_scoped3A : memref<!tpu.dma_semaphore, #tpu.memory_space<semaphore_mem>>) src(%arg8 : memref<16xf32, #tpu.memory_space<vmem>>) dst(%dma_wait3A_21 : memref<16xf32, #tpu.memory_space<hbm>>)
      tpu.yield
    }) : () -> ()
    %barrier3A = arith.constant 0 : index
    tpu.barrier barrier_id(%barrier3A)
    %eq3A = arith.constant 0 : i32
    %eq3A_10 = arith.cmpi eq, %arg1, %eq3A : i32
    %convert_element_type3A = arith.extui %eq3A_10 : i1 to i32
    %cond3A = arith.constant 0 : i32
    %cond3A_11 = arith.cmpi ne, %convert_element_type3A, %cond3A : i32
    scf.if %cond3A_11 {
      "tpu.region"() ({
        %run_scoped3A = tpu.sem_alloc : memref<!tpu.dma_semaphore, #tpu.memory_space<semaphore_mem>>
        tpu.enqueue_dma source(%arg4 : memref<16x16xf32, #tpu.memory_space<hbm>>) target(%arg9 : memref<16x16xf32, #tpu.memory_space<vmem>>) target_semaphore(%run_scoped3A : memref<!tpu.dma_semaphore, #tpu.memory_space<semaphore_mem>>)
        tpu.wait_dma2 semaphore(%run_scoped3A : memref<!tpu.dma_semaphore, #tpu.memory_space<semaphore_mem>>) src(%arg4 : memref<16x16xf32, #tpu.memory_space<hbm>>) dst(%arg9 : memref<16x16xf32, #tpu.memory_space<vmem>>)
        tpu.yield
      }) : () -> ()
      %broadcast_in_dim3A_12 = arith.constant 0.000000e+00 : f32
      %broadcast_in_dim3A_13 = vector.broadcast %broadcast_in_dim3A_12 : f32 to vector<16xf32>
      %scan3A_14 = arith.constant 0 : i32
      %scan3A_15 = arith.constant 16 : i32
      %scan3A_16 = arith.addi %scan3A_14, %scan3A_15 : i32
      %scan3A_17 = arith.constant 1 : i32
      %scan3A_18 = scf.for %scan3A_28 = %scan3A_14 to %scan3A_16 step %scan3A_17 iter_args(%scan3A_29 = %broadcast_in_dim3A_13) -> (vector<16xf32>)  : i32 {
        %get3A = arith.index_cast %scan3A_28 : i32 to index
        %get3A_30 = arith.constant 0 : index
        %get3A_31 = tpu.vector_load %arg9[%get3A, %get3A_30] {strides = array<i32>} : memref<16x16xf32, #tpu.memory_space<vmem>>, vector<16xf32>,
        %add3A = arith.addf %scan3A_29, %get3A_31 : vector<16xf32>
        scf.yield %add3A : vector<16xf32>
      }
      %scan3A_19 = arith.constant 16 : i32
      %reduce_sum3A = arith.constant true
      %reduce_sum3A_20 = vector.broadcast %reduce_sum3A : i1 to vector<16xi1>
      %reduce_sum3A_21 = tpu.scan <sum>, %scan3A_18 masked %reduce_sum3A_20 : vector<16xf32>, vector<16xi1> -> vector<16xf32>
      %reduce_sum3A_22 = vector.extract %reduce_sum3A_21[15] : f32 from vector<16xf32>
      %mul3A_23 = arith.constant 6.51041686E-4 : f32
      %mul3A_24 = arith.mulf %reduce_sum3A_22, %mul3A_23 : f32
      %broadcast_in_dim3A_25 = vector.broadcast %mul3A_24 : f32 to vector<16xf32>
      %swap3A_26 = arith.constant 0 : index
      %swap3A_27 = tpu.vector_load %arg10[%swap3A_26] {strides = array<i32>} : memref<16xf32, #tpu.memory_space<vmem>>, vector<16xf32>,
      tpu.vector_store %arg10[%swap3A_26], %broadcast_in_dim3A_25 {strides = array<i32>} : memref<16xf32, #tpu.memory_space<vmem>>, vector<16xf32>,
      "tpu.region"() ({
        %run_scoped3A = tpu.sem_alloc : memref<!tpu.dma_semaphore, #tpu.memory_space<semaphore_mem>>
        tpu.enqueue_dma source(%arg10 : memref<16xf32, #tpu.memory_space<vmem>>) target(%arg5 : memref<16xf32, #tpu.memory_space<hbm>>) target_semaphore(%run_scoped3A : memref<!tpu.dma_semaphore, #tpu.memory_space<semaphore_mem>>)
        tpu.wait_dma2 semaphore(%run_scoped3A : memref<!tpu.dma_semaphore, #tpu.memory_space<semaphore_mem>>) src(%arg10 : memref<16xf32, #tpu.memory_space<vmem>>) dst(%arg5 : memref<16xf32, #tpu.memory_space<hbm>>)
        tpu.yield
      }) : () -> ()
    } else {
    }
    return
  }
}

module attributes {stable_mosaic.version = 14 : i64} {
  func.func @_dist_kernel(%arg0: i32, %arg1: memref<512x2048xf32, #tpu.memory_space<vmem>>, %arg2: memref<512x512xf32, #tpu.memory_space<vmem>>, %arg3: memref<512x512xf32, #tpu.memory_space<vmem>>) attributes {dimension_semantics = [#tpu.dimension_semantics<arbitrary>], iteration_bounds = array<i64: 2>, scalar_prefetch = 0 : i64, scratch_operands = 1 : i64, tpu.core_type = #tpu.core_type<tc>, window_params = [{transform_indices = @transform_0, window_bounds = array<i64: 512, 2048>}, {pipeline_mode = #tpu.pipeline_mode<synchronous>, transform_indices = @transform_1, window_bounds = array<i64: 512, 512>}]} {
    %get3A = arith.constant 0 : index
    %get3A_0 = arith.constant 0 : index
    %get3A_1 = vector.load %arg1[%get3A, %get3A_0] : memref<512x2048xf32, #tpu.memory_space<vmem>>, vector<512x2048xf32>
    %convert_element_type3A = arith.truncf %get3A_1 : vector<512x2048xf32> to vector<512x2048xbf16>
    %dot_general3A = arith.constant dense<0.000000e+00> : vector<512x512xf32>
    %dot_general3A_2 = tpu.matmul %convert_element_type3A, %convert_element_type3A, %dot_general3A {dimension_numbers = #tpu.dot_dimension_numbers<[1], [1], [0], [0], [0, 0, 1, 0], [], []>, transpose_lhs_hint = false} : vector<512x2048xbf16>, vector<512x2048xbf16>, vector<512x512xf32> -> vector<512x512xf32>
    %eq3A = arith.constant 0 : i32
    %eq3A_3 = arith.cmpi eq, %arg0, %eq3A : i32
    %convert_element_type3A_4 = arith.extui %eq3A_3 : i1 to i32
    %cond3A = arith.constant 0 : i32
    %cond3A_5 = arith.cmpi ne, %convert_element_type3A_4, %cond3A : i32
    scf.if %cond3A_5 {
      %swap3A = arith.constant 0 : index
      %swap3A_15 = arith.constant 0 : index
      %swap3A_16 = vector.load %arg3[%swap3A, %swap3A_15] : memref<512x512xf32, #tpu.memory_space<vmem>>, vector<512x512xf32>
      tpu.vector_store %arg3[%swap3A, %swap3A_15], %dot_general3A_2 {strides = array<i32>} : memref<512x512xf32, #tpu.memory_space<vmem>>, vector<512x512xf32>,
    } else {
    }
    %gt3A = arith.constant 0 : i32
    %gt3A_6 = arith.cmpi sgt, %arg0, %gt3A : i32
    %convert_element_type3A_7 = arith.extui %gt3A_6 : i1 to i32
    %cond3A_8 = arith.constant 0 : i32
    %cond3A_9 = arith.cmpi ne, %convert_element_type3A_7, %cond3A_8 : i32
    scf.if %cond3A_9 {
      %get3A_15 = arith.constant 0 : index
      %get3A_16 = arith.constant 0 : index
      %get3A_17 = vector.load %arg3[%get3A_15, %get3A_16] : memref<512x512xf32, #tpu.memory_space<vmem>>, vector<512x512xf32>
      %add3A = arith.addf %get3A_17, %dot_general3A_2 : vector<512x512xf32>
      %swap3A = arith.constant 0 : index
      %swap3A_18 = arith.constant 0 : index
      %swap3A_19 = vector.load %arg3[%swap3A, %swap3A_18] : memref<512x512xf32, #tpu.memory_space<vmem>>, vector<512x512xf32>
      tpu.vector_store %arg3[%swap3A, %swap3A_18], %add3A {strides = array<i32>} : memref<512x512xf32, #tpu.memory_space<vmem>>, vector<512x512xf32>,
    } else {
    }
    %eq3A_10 = arith.constant 1 : i32
    %eq3A_11 = arith.cmpi eq, %arg0, %eq3A_10 : i32
    %convert_element_type3A_12 = arith.extui %eq3A_11 : i1 to i32
    %cond3A_13 = arith.constant 0 : i32
    %cond3A_14 = arith.cmpi ne, %convert_element_type3A_12, %cond3A_13 : i32
    scf.if %cond3A_14 {
      %get3A_15 = arith.constant 0 : index
      %get3A_16 = arith.constant 0 : index
      %get3A_17 = vector.load %arg3[%get3A_15, %get3A_16] : memref<512x512xf32, #tpu.memory_space<vmem>>, vector<512x512xf32>
      %iota3A = tpu.iota {dimensions = array<i32: 0>} : vector<512x512xi32>
      %iota3A_18 = tpu.iota {dimensions = array<i32: 1>} : vector<512x512xi32>
      %eq3A_19 = arith.cmpi eq, %iota3A, %iota3A_18 : vector<512x512xi32>
      %jit3A = arith.constant 0.000000e+00 : f32
      %broadcast_in_dim3A = vector.broadcast %jit3A : f32 to vector<512x512xf32>
      %select_n3A = arith.select %eq3A_19, %get3A_17, %broadcast_in_dim3A : vector<512x512xi1>, vector<512x512xf32>
      %reduce_sum3A = arith.constant dense<0.000000e+00> : vector<512xf32>
      %reduce_sum3A_20 = vector.multi_reduction <add>, %select_n3A, %reduce_sum3A [1] : vector<512x512xf32> to vector<512xf32>
      %broadcast_in_dim3A_21 = vector.shape_cast %reduce_sum3A_20 : vector<512xf32> to vector<512x1xf32>
      %reduce_sum3A_22 = arith.constant dense<0.000000e+00> : vector<512xf32>
      %reduce_sum3A_23 = vector.multi_reduction <add>, %select_n3A, %reduce_sum3A_22 [0] : vector<512x512xf32> to vector<512xf32>
      %broadcast_in_dim3A_24 = vector.shape_cast %reduce_sum3A_23 : vector<512xf32> to vector<1x512xf32>
      %add3A = vector.broadcast %broadcast_in_dim3A_21 : vector<512x1xf32> to vector<512x512xf32>
      %add3A_25 = vector.broadcast %broadcast_in_dim3A_24 : vector<1x512xf32> to vector<512x512xf32>
      %add3A_26 = arith.addf %add3A, %add3A_25 : vector<512x512xf32>
      %mul3A = arith.constant 2.000000e+00 : f32
      %mul3A_27 = vector.broadcast %mul3A : f32 to vector<512x512xf32>
      %mul3A_28 = arith.mulf %mul3A_27, %get3A_17 : vector<512x512xf32>
      %sub3A = arith.subf %add3A_26, %mul3A_28 : vector<512x512xf32>
      %max3A = arith.constant 0.000000e+00 : f32
      %max3A_29 = vector.broadcast %max3A : f32 to vector<512x512xf32>
      %max3A_30 = arith.maximumf %sub3A, %max3A_29 : vector<512x512xf32>
      %swap3A = arith.constant 0 : index
      %swap3A_31 = arith.constant 0 : index
      %swap3A_32 = vector.load %arg2[%swap3A, %swap3A_31] : memref<512x512xf32, #tpu.memory_space<vmem>>, vector<512x512xf32>
      tpu.vector_store %arg2[%swap3A, %swap3A_31], %max3A_30 {strides = array<i32>} : memref<512x512xf32, #tpu.memory_space<vmem>>, vector<512x512xf32>,
    } else {
    }
    return
  }
  func.func @transform_0(%arg0: i32) -> (i32, i32) {
    %c0_i32 = arith.constant 0 : i32
    %c0_i32_0 = arith.constant 0 : i32
    return %c0_i32, %arg0 : i32, i32
  }
  func.func @transform_1(%arg0: i32) -> (i32, i32) {
    %c0_i32 = arith.constant 0 : i32
    %c0_i32_0 = arith.constant 0 : i32
    %c0_i32_1 = arith.constant 0 : i32
    return %c0_i32, %c0_i32_0 : i32, i32
  }
}

</mosaic_0001>

<sc_bundles>
// kernel: kernel.4.cloned.1.call-start
scs
__scs_entry_jumppad:
0x0: {  	(pc) =	sbr.rel $0x88, $3  }
0x1: {  	(tag) =	ssettag $0x0;
	lr =	simm.s32 $0x1  }
0x2: {  	[smem:$0x3FA0] =	sst lr;
	_ =	strace $0xD0000000  }
0x3: {  	_ = 	snop  }
0x4: {  	_ = 	snop  }
0x5: {  	_ = 	snop  }
0x6: {  	_ = 	snop  }
0x7: {  	_ = 	snop  }
__scs_overlays_trampoline_lowered:
0x8: {  	[smem:$0x3FAF] =	sst s0  }
0x9: {  	[smem:$0x3FB0] =	sst s1  }
0xa: {  	[smem:$0x3FB1] =	sst s2  }
0xb: {  	[smem:$0x3FB2] =	sst s3  }
0xc: {  	[smem:$0x3FB3] =	sst s4  }
0xd: {  	[smem:$0x3FB4] =	sst s5  }
0xe: {  	[smem:$0x3FB5] =	sst s6  }
0xf: {  	[smem:$0x3FB6] =	sst s7  }
0x10: {  	[smem:$0x3FB7] =	sst s8  }
0x11: {  	[smem:$0x3FB8] =	sst s9;
	s0 =	simm.s32 @!p0 $0x0  }
0x12: {  	s1 =	sld [smem:$0x3F9E];
	s0 =	simm.s32 @p0 $0x1  }
0x13: {  	[smem:$0x3FB9] =	sst s0;
	s0 =	simm.s32 @!p1 $0x0  }
0x14: {  	s2 =	sld [smem:$0x3F9D];
	s0 =	simm.s32 @p1 $0x1  }
0x15: {  	[smem:$0x3FBA] =	sst s0;
	s0 =	simm.s32 @!p2 $0x0  }
0x16: {  	s3 =	sld [smem:$0x3FDB];
	s0 =	simm.s32 @p2 $0x1  }
0x17: {  	s4 =	simm.s32 $0x1BF5;
	[smem:$0x3FBC] =	sst s0  }
0x18: {  	s0 =	sld [smem:$0x3F9F];
	_ =	swait.ge [sflag:s4], $0x0  }
0x19: {  	s7 =	sld [smem:$0x3FA0]  }
0x1a: {  	s8 =	sadd.s32 $0xFFFFE003, lr  }
0x1b: {  	s9 =	sadd.s32 $0xFFFFFEF7, lr;
	s5 =	simm.s32 $0xFFFFFFFF;
	p2 =	slt.u32 s8, $0xFFFFF086  }
0x1c: {  	p1 =	slt.u32 s9, $0xF7A;
	s5 =	simm.s32 @!p2 $0x0  }
0x1d: {  	s5 =	simm.s32 @p1 $0x1;
	p0 =	seq.s32 s7, s2  }
0x1e: {  	s7 =	smul.u32 @!p0 $0xF7A, s2;
	p2 =	seq.s32 @!p0 s5, $0x0  }
0x1f: {  	s9 =	smul.u32 $0xF7A, s1;
	s8 =	simm.s32 @!p0 $0x1BF5;
	p2 =	por !p2, p0  }
0x20: {  	[sflag:s8] =	ssyncset.s32 @!p0 $0xFFFFF086;
	s6 =	sadd.s32 @!p0 s3, s7;
	s7 =	simm.s32 @!p0 $0x108  }
0x21: {  	s3 =	sadd.s32 s3, s9;
	s6 =	sadd.s32 @!p0 $0x88, s6;
	s7 =	simm.s32 @p2 $0x1082  }
0x22: {  	[simem:s7], [sflag:s8] =	dma.local @!p0 [hbm:s6], $0xF7A  }
0x23: {  	s9 =	sor.u32 $0xD0000000, s2;
	s6 =	simm.s32 $0x108;
	_ =	swait.ge @!p0 [sflag:s8], $0x0  }
0x24: {  	s3 =	sadd.s32 $0x88, s3;
	s6 =	simm.s32 @!p1 $0x1082;
	[sflag:s4] =	ssyncset.s32 $0xFFFFF086  }
0x25: {  	[simem:s6], [sflag:s4] =	dma.local [hbm:s3], $0xF7A  }
0x26: {  	[smem:$0x3FA0] =	sst s1;
	(tag) =	ssettag s2;
	_ =	strace s9  }
0x27: {  	s1 =	sld [smem:$0x3FB0]  }
0x28: {  	s2 =	sld [smem:$0x3FB1]  }
0x29: {  	s4 =	sld [smem:$0x3FB3]  }
0x2a: {  	p0 =	seq.s32 s5, $0x0;
	s5 =	sld [smem:$0x3FB4]  }
0x2b: {  	s6 =	sld [smem:$0x3FB5]  }
0x2c: {  	s7 =	sld [smem:$0x3FB6]  }
0x2d: {  	s3 =	simm.s32 $0x108;
	s8 =	sld [smem:$0x3FB7]  }
0x2e: {  	s3 =	simm.s32 @!p0 $0x1082;
	s9 =	sld [smem:$0x3FB8]  }
0x2f: {  	lr =	sadd.s32 s0, s3;
	s0 =	sld [smem:$0x3FAF]  }
0x30: {  	s3 =	sld [smem:$0x3FB2]  }
0x31: {  	[smem:$0x3FBB] =	sst s10  }
0x32: {  	s10 =	sld [smem:$0x3FB9];
	_ =	sdelay $0x3  }
0x33: {  	p0 =	seq.s32 s10, $0x1;
	s10 =	sld [smem:$0x3FBB];
	_ =	sdelay $0x3  }
0x34: {  	[smem:$0x3FBB] =	sst s10  }
0x35: {  	s10 =	sld [smem:$0x3FBA];
	_ =	sdelay $0x3  }
0x36: {  	p1 =	seq.s32 s10, $0x1;
	s10 =	sld [smem:$0x3FBB];
	_ =	sdelay $0x3  }
0x37: {  	[smem:$0x3FBB] =	sst s10  }
0x38: {  	s10 =	sld [smem:$0x3FBC]  }
0x39: {  	_ = 	snop;
	(pc) =	sbr.ind lr, $3  }
0x3a: {  	_ = 	snop  }
0x3b: {  	_ = 	snop  }
0x3c: {  	p2 =	seq.s32 s10, $0x1;
	s10 =	sld [smem:$0x3FBB]  }
0x3d: {  	_ =	shalt  }
0x3e: {  	_ =	shalt  }
0x3f: {  	_ =	shalt  }
0x40: {  	_ =	shalt  }
0x41: {  	_ =	shalt  }
0x42: {  	_ =	shalt  }
0x43: {  	_ =	shalt  }
0x44: {  	_ =	shalt  }
0x45: {  	_ =	shalt  }
0x46: {  	_ =	shalt  }
0x47: {  	_ =	shalt  }
0x48: {  	_ =	shalt  }
0x49: {  	_ =	shalt  }
0x4a: {  	_ =	shalt  }
0x4b: {  	_ =	shalt  }
0x4c: {  	_ =	shalt  }
0x4d: {  	_ =	shalt  }
0x4e: {  	_ =	shalt  }
0x4f: {  	_ =	shalt  }
0x50: {  	_ =	shalt  }
0x51: {  	_ =	shalt  }
0x52: {  	_ =	shalt  }
0x53: {  	_ =	shalt  }
0x54: {  	_ =	shalt  }
0x55: {  	_ =	shalt  }
0x56: {  	_ =	shalt  }
0x57: {  	_ =	shalt  }
0x58: {  	_ =	shalt  }
0x59: {  	_ =	shalt  }
0x5a: {  	_ =	shalt  }
0x5b: {  	_ =	shalt  }
0x5c: {  	_ =	shalt  }
0x5d: {  	_ =	shalt  }
0x5e: {  	_ =	shalt  }
0x5f: {  	_ =	shalt  }
0x60: {  	_ =	shalt  }
0x61: {  	_ =	shalt  }
0x62: {  	_ =	shalt  }
0x63: {  	_ =	shalt  }
0x64: {  	_ =	shalt  }
0x65: {  	_ =	shalt  }
0x66: {  	_ =	shalt  }
0x67: {  	_ =	shalt  }
0x68: {  	_ =	shalt  }
0x69: {  	_ =	shalt  }
0x6a: {  	_ =	shalt  }
0x6b: {  	_ =	shalt  }
0x6c: {  	_ =	shalt  }
0x6d: {  	_ =	shalt  }
0x6e: {  	_ =	shalt  }
0x6f: {  	_ =	shalt  }
0x70: {  	_ =	shalt  }
0x71: {  	_ =	shalt  }
0x72: {  	_ =	shalt  }
0x73: {  	_ =	shalt  }
0x74: {  	_ =	shalt  }
0x75: {  	_ =	shalt  }
0x76: {  	_ =	shalt  }
0x77: {  	_ =	shalt  }
0x78: {  	_ =	shalt  }
0x79: {  	_ =	shalt  }
0x7a: {  	_ =	shalt  }
0x7b: {  	_ =	shalt  }
0x7c: {  	_ =	shalt  }
0x7d: {  	_ =	shalt  }
0x7e: {  	_ =	shalt  }
0x7f: {  	_ =	shalt  }
0x80: {  	_ =	shalt  }
0x81: {  	_ =	shalt  }
0x82: {  	_ =	shalt  }
0x83: {  	_ =	shalt  }
0x84: {  	_ =	shalt  }
0x85: {  	_ =	shalt  }
0x86: {  	_ =	shalt  }
0x87: {  	_ =	shalt  }
.Lfunc_end0:
.L_simem_size_0:
called_computation_lowered:
.L_overlay_start_0:
0x88: {  	s0 =	sld [smem:$0x3FD9]  }
0x89: {  	s1 =	sld [smem:$0x3FFE];
	_ =	sdelay $0x3  }
0x8a: {  	s0 =	sadd.s32 s1, s0  }
0x8b: {  	[smem:$0x3FC7] =	sst s0  }
0x8c: {  	_ = 	snop  }
0x8d: {  	s0 =	sld [smem:$0x3FD0];
	(tm) =	ssettm $0x1  }
0x8e: {  	s16 =	sld [smem:$0x3FFB];
	_ =	sdelay $0x3  }
0x8f: {  	_ =	strace s16  }
0x90: {  	s1 =	sld [smem:$0x3FFC];
	_ =	sdelay $0x3  }
0x91: {  	_ =	strace s1  }
0x92: {  	s1 =	sld [smem:$0x3FFD];
	_ =	sdelay $0x3  }
0x93: {  	_ =	strace s1  }
0x94: {  	_ =	strace $0x8FFFFFFF  }
0x95: {  	s17 =	sld [smem:$0x3FDB];
	_ =	sdelay $0x1  }
0x96: {  	s2 =	simm.s32 $_scs_section_size  }
0x97: {  	s3 =	simm.s32 $_size__tile_overlayer_lowered;
	s4 =	simm.s32 $_tile_overlayer_lowered  }
0x98: {  	s20 =	simm.s32 $0x1BFF;
	s19 =	sshll.u32 s4, $0x1;
	s1 =	sadd.s32 s2, s17  }
0x99: {  	s5 =	simm.s32 $0x0;
	s18 =	sshll.u32 s3, $0x1;
	s3 =	sadd.s32 s19, s1  }
0x9a: {  	[timem:s5], [sflag:s20] =	dma.local [hbm:s3], s18  }
0x9b: {  	_ =	swait.ge [sflag:s20], s18  }
0x9c: {  	s2 =	ssub.s32 $0x0, s18;
	[sflag:s20] =	ssyncset.done $0x0  }
0x9d: {  	[sflag:s20] =	ssyncadd.s32 s2;
	_ =	sdelay $0x1  }
0x9e: {  	s21 =	simm.s32 $0x1B8B  }
0x9f: {  	_ =	swait.ge [sflag:s21], $0x1  }
0xa0: {  	[sflag:s21] =	ssyncset.done $0x0  }
0xa1: {  	s23 =	simm.s32 $0x1B8E;
	s22 =	sld [smem:$0x3FFE];
	[sflag:s21] =	ssyncadd.s32 $0xFFFFFFFF  }
0xa2: {  	s24 =	simm.s32 $execute0_lowered;
	[smem:$0x3FD2] =	sst s23  }
0xa3: {  	s3 =	sshll.u32 s24, $0x1;
	_ =	strace $0x80000046;
	[dreg:$0x1] =	wrdreg $0xFFFFFFFF  }
0xa4: {  	s25 =	simm.s32 $_size_execute0_lowered;
	s1 =	sadd.s32 s1, s3;
	[dreg:$0x0] =	wrdreg $0x0  }
0xa5: {  	s3 =	sshll.u32 s25, $0x1;
	[dreg:$0x2] =	wrdreg s1  }
0xa6: {  	[dreg:$0x3] =	wrdreg s3  }
0xa7: {  	[dreg:$0x4] =	wrdreg $0xC0  }
0xa8: {  	_ =	task [dreg:s5], $0x5FFFF  }
0xa9: {  	[dreg:$0x1] =	wrdreg $0xFFFFFFFF  }
0xaa: {  	[dreg:$0x0] =	wrdreg $0x60  }
0xab: {  	[dreg:$0x2] =	wrdreg s22  }
0xac: {  	[dreg:$0x3] =	wrdreg s0  }
0xad: {  	[dreg:$0x4] =	wrdreg $0x9  }
0xae: {  	_ =	task.clear_ibuf [dreg:s5], $0x5FFFF;
	_ =	strace $0x90000046  }
0xaf: {  	s26 =	simm.s32 $0x9;
	_ =	strace $0x80000048  }
0xb0: {  	_ =	swait.ge [sflag:s26], $0x1  }
0xb1: {  	[sflag:s26] =	ssyncadd.s32 $0xFFFFFFFF  }
0xb2: {  	_ =	strace $0x90000048  }
0xb3: {  	_ =	sfence  }
0xb4: {  	s28 =	sld [smem:$0x0];
	_ =	sdelay $0x1  }
0xb5: {  	s29 =	srdreg.scid  }
0xb6: {  	s30 =	sshll.u32 s29, $0xD;
	s31 =	sshrl.u32 s29, $0x2  }
0xb7: {  	s2 =	sand.u32 $0x4000, s30;
	s1 =	sand.u32 $0x1, s29;
	s0 =	sadd.s32 s31, s28  }
0xb8: {  	s1 =	sor.u32 s2, s1;
	s0 =	sshll.u32 s0, $0x11  }
0xb9: {  	s0 =	sor.u32 s0, s1  }
0xba: {  	s0 =	sadd.s32 $0x8F2B, s0  }
0xbb: {  	[sflag:s0] =	ssyncadd.remote.s32 $0x1  }
0xbc: {  	_ =	sfence.sel $0xFFFF  }
0xbd: {  	[dreg:$0x0] =	wrdreg $0xFFFFFFFF;
	(pc) =	sbr.abs _section_cstart, $3  }
0xbe: {  	[dreg:$0x1] =	wrdreg $0xFFFFFFFF  }
0xbf: {  	_ =	task.clear_ibuf [dreg:s5], $0x2FFFF;
	_ =	strace $0x9FFFFFFF  }
0xc0: {  	(tm) =	ssettm $0x7FFFFFFF  }
0xc1: {  	_ =	shalt  }
tec
execute0_lowered:
.L_overlay_start_1:
0x0: {  	(tag) =	ssettag $0x1  }
0x1: {  	s4 =	rddreg [dreg:$0x0]  }
0x2: {  	s1 =	rddreg [dreg:$0x1];
	s2 =	stileid.u32  }
0x3: {  	s0 =	rddreg [dreg:$0x2];
	s3 =	simm.s32 $0x0;
	s5 =	sshll.u32 s2, $0xB  }
0x4: {  	[smem:$0x7FF] =	sst s3;
	s5 =	sadd.s32 s5, s4  }
0x5: {  	s30 =	simm.s32 $0x1;
	_ =	strace $0x80000047;
	s5 =	sadd.s32 $0xE00, s5  }
0x6: {  	[tilespmem:s3], [sflag:$0x1] =	stream.linear.gather [hbm4b:s5+s3], $0x4000, $0x38;
	[tilespmem:$0x4A00] =	vst v63  }
0x7: {  	s6 =	sshll.u32 s2, $0x5;
	_ =	swait.ge [sflag:s30], $0x4000  }
0x8: {  	s6 =	sadd.s32 s6, s4;
	[sflag:s30] =	ssyncset.done $0x0  }
0x9: {  	s7 =	simm.s32 $0x4000;
	s6 =	sadd.s32 $0x8E00, s6;
	[sflag:s30] =	ssyncadd.s32 $0xFFFFC000  }
0xa: {  	[tilespmem:s7], [sflag:$0x1] =	stream.linear.gather [hbm4b:s6+s3], $0x100, $0x38;
	[tilespmem:$0x4A00] =	vst v63  }
0xb: {  	p0 =	por $0x0, $0x0;
	s6 =	simm.s32 $0xFFFFFFFD  }
0xc: {  	s6 =	simm.s32 @!p0 $0x0  }
0xd: {  	s6 =	sadd.s32 $0x0, s6  }
0xe: {  	s7 =	simm.s32 $0x10;
	_ =	swait.ge [sflag:s30], $0x100;
	s6 =	sshll.u32 s6, $0x7  }
0xf: {  	s7 =	simm.s32 @!p0 $0x0;
	[sflag:s30] =	ssyncset.done $0x0;
	s6 =	sshra.s32 s6, $0x2  }
0x10: {  	[sflag:s30] =	ssyncadd.s32 $0xFFFFFF00;
	s31 =	sor.u32 s7, s6  }
0x11: {  	v0 =	vld [tilespmem:s31+$0x4000]  }
0x12: {  	v3 =	vld [tilespmem:s31+$0x4080]  }
0x13: {  	v1 =	vlaneseq.u32  }
0x14: {  	v2 =	vmul.u32 $0x200, v1;
	v4 =	vmov s7  }
0x15: {  	v1 =	vand.u32 $0x7, v1;
	v4 =	vshll.u32 v4, $0x9  }
0x16: {  	v1 =	vmul.u32 $0x80, v1;
	v4 =	vor.u32 v2, v4;
	v5 =	vshll.u32 v0, $0x3  }
0x17: {  	v4 =	vand.u32 $0x3000, v4;
	v6 =	vshll.u32 v3, $0x3;
	v5 =	vand.u32 $0xFFFFFC00, v5  }
0x18: {  	v0 =	vand.u32 $0x7F, v0;
	v6 =	vand.u32 $0xFFFFFC00, v6;
	v5 =	vadd.s32 v4, v5  }
0x19: {  	v3 =	vand.u32 $0x7F, v3;
	v4 =	vadd.s32 v4, v6;
	v0 =	vor.u32 v0, v5  }
0x1a: {  	v3 =	vor.u32 v3, v4;
	v0 =	vor.u32 v1, v0  }
0x1b: {  	v3 =	vor.u32 v1, v3;
	_ =	sdelay $0x1  }
0x1c: {  	s5 =	simm.s32 $0xFFFFFFFD;
	p0 =	por $0x0, $0x0  }
0x1d: {  	s5 =	simm.s32 @!p0 $0x0  }
0x1e: {  	s5 =	sadd.s32 $0x1, s5;
	v0 =	vld.idx.msk [tilespmem:v0+s3+$0x0], $0xffff  }
0x1f: {  	s5 =	sshll.u32 s5, $0x7;
	s6 =	simm.s32 $0x10;
	v3 =	vld.idx.msk [tilespmem:v3+s3+$0x0], $0xffff  }
0x20: {  	s5 =	sshra.s32 s5, $0x2;
	s6 =	simm.s32 @!p0 $0x0  }
0x21: {  	s5 =	sor.u32 s6, s5  }
0x22: {  	v4 =	vld [tilespmem:s5+$0x4000];
	_ =	sdelay $0x1  }
0x23: {  	v0 =	vsub.f32 v0, v3;
	v3 =	vld [tilespmem:s5+$0x4080]  }
0x24: {  	v5 =	vmov s6  }
0x25: {  	v5 =	vshll.u32 v5, $0x9  }
0x26: {  	v5 =	vor.u32 v2, v5;
	v7 =	vshll.u32 v4, $0x3;
	v6 =	vand.u32 $0x7FFFFFFF, v0  }
0x27: {  	v5 =	vand.u32 $0x3000, v5;
	v7 =	vand.u32 $0xFFFFFC00, v7;
	v6 =	vsub.f32 $0.0e+00, v6  }
0x28: {  	p0 =	por $0x0, $0x0;
	v4 =	vand.u32 $0x7F, v4;
	v7 =	vadd.s32 v5, v7;
	s5 =	simm.s32 $0xFFFFFFFD;
	v8 =	vshll.u32 v3, $0x3  }
0x29: {  	v4 =	vor.u32 v4, v7;
	s5 =	simm.s32 @!p0 $0x0;
	v6 =	vmul.f32 $1.442695020e+00, v6;
	v8 =	vand.u32 $0xFFFFFC00, v8  }
0x2a: {  	v4 =	vor.u32 v1, v4;
	s5 =	sadd.s32 $0x2, s5;
	v3 =	vand.u32 $0x7F, v3;
	v5 =	vadd.s32 v5, v8  }
0x2b: {  	s6 =	simm.s32 $0x10;
	s5 =	sshll.u32 s5, $0x7;
	(erf) = vpow2.f32 v6;
	v3 =	vor.u32 v3, v5  }
0x2c: {  	s6 =	simm.s32 @!p0 $0x0;
	s5 =	sshra.s32 s5, $0x2;
	v3 =	vor.u32 v1, v3  }
0x2d: {  	s5 =	sor.u32 s6, s5  }
0x2e: {  	v7 =	vld [tilespmem:s5+$0x4080]  }
0x2f: {  	v6 =	vld.idx.msk [tilespmem:v4+s3+$0x0], $0xffff  }
0x30: {  	v5 =	vld [tilespmem:s5+$0x4000]  }
0x31: {  	v4 =	vmov s6;
	v3 =	vld.idx.msk [tilespmem:v3+s3+$0x0], $0xffff  }
0x32: {  	v8 =	vshll.u32 v4, $0x9  }
0x33: {  	v8 =	vor.u32 v2, v8  }
0x34: {  	v8 =	vand.u32 $0x3000, v8;
	v11 =	vshll.u32 v7, $0x3;
	v4 =	vpop (erf)  }
0x35: {  	v7 =	vand.u32 $0x7F, v7;
	v10 =	vand.u32 $0x7F, v5;
	v9 =	vadd.f32 $2.000000000e+00, v4  }
0x36: {  	v5 =	vshll.u32 v5, $0x3;
	v3 =	vsub.f32 v6, v3;
	v6 =	vand.u32 $0xFFFFFC00, v11  }
0x37: {  	v5 =	vand.u32 $0xFFFFFC00, v5;
	(erf) = vrcp.f32 v9;
	v6 =	vadd.s32 v8, v6  }
0x38: {  	p0 =	por $0x1, $0x1;
	s5 =	simm.s32 $0xFFFFFFFD;
	v5 =	vadd.s32 v8, v5;
	v6 =	vor.u32 v7, v6;
	v7 =	vand.u32 $0x7FFFFFFF, v3  }
0x39: {  	s5 =	simm.s32 @!p0 $0x0;
	v5 =	vor.u32 v10, v5;
	v7 =	vsub.f32 $0.0e+00, v7  }
0x3a: {  	s5 =	sadd.s32 $0x3, s5;
	v5 =	vor.u32 v1, v5  }
0x3b: {  	s6 =	simm.s32 $0x10;
	s5 =	sshll.u32 s5, $0x7;
	v6 =	vor.u32 v1, v6;
	v9 =	vmul.f32 $1.442695020e+00, v7  }
0x3c: {  	s6 =	simm.s32 @!p0 $0x0;
	s5 =	sshra.s32 s5, $0x2  }
0x3d: {  	s7 =	sor.u32 s6, s5;
	(erf) = vpow2.f32 v9  }
0x3e: {  	v8 =	vld [tilespmem:s7+$0x4000]  }
0x3f: {  	v7 =	vld.idx.msk [tilespmem:v5+s3+$0x0], $0xffff  }
0x40: {  	s4 =	sadd.s32 $0x9000, s4;
	s5 =	simm.s32 $0x4;
	v5 =	vimm.f32 $0.0e+00;
	v9 =	vld.idx.msk [tilespmem:v6+s3+$0x0], $0xffff;
	v6 =	vpop (erf)  }
.LBB2_1:
0x41: {  	p0 =	sne.s32 s5, $0x5;
	v10 =	vld [tilespmem:s7+$0x4080];
	v6 =	vmul.f32 v6, v4  }
0x42: {  	v4 =	vmov s6  }
0x43: {  	v4 =	vshll.u32 v4, $0x9;
	v11 =	vmul.f32 v6, v6  }
0x44: {  	v16 =	vor.u32 v2, v4  }
0x45: {  	v12 =	vand.u32 $0x7F, v8;
	v13 =	vand.u32 $0x3000, v16;
	v14 =	vmul.f32 $2.000000030e-01, v11  }
0x46: {  	v8 =	vshll.u32 v8, $0x3;
	v7 =	vsub.f32 v7, v9;
	v15 =	vshll.u32 v10, $0x3;
	v4 =	vpop (erf)  }
0x47: {  	v8 =	vand.u32 $0xFFFFFC00, v8;
	v9 =	vadd.f32 $2.000000000e+00, v4;
	v14 =	vadd.f32 $3.333333430e-01, v14  }
0x48: {  	v8 =	vadd.s32 v13, v8;
	v10 =	vand.u32 $0x7F, v10;
	v15 =	vand.u32 $0xFFFFFC00, v15  }
0x49: {  	v16 =	vand.u32 $0x7FFFFFFF, v7;
	(erf) = vrcp.f32 v9;
	v9 =	vmul.f32 v14, v11  }
0x4a: {  	p1 =	sgt.u32 s5, $0x2;
	s6 =	simm.s32 $0xFFFFFFFD;
	v8 =	vor.u32 v12, v8;
	v12 =	vsub.f32 $0.0e+00, v16;
	v11 =	vadd.s32 v13, v15  }
0x4b: {  	s6 =	simm.s32 @!p1 $0x0;
	v6 =	vadd.f32 v6, v6;
	v10 =	vor.u32 v10, v11;
	v9 =	vadd.f32 $1.000000000e+00, v9  }
0x4c: {  	s6 =	sadd.s32 s5, s6;
	v11 =	vor.u32 v1, v8;
	v8 =	vmax.f32 v0, $0.0e+00;
	v0 =	vmovc v3;
	v3 =	vmovc v7;
	v10 =	vor.u32 v1, v10  }
0x4d: {  	s7 =	sshll.u32 s6, $0x7;
	s6 =	simm.s32 $0x10;
	v7 =	vmul.f32 $1.442695020e+00, v12;
	v5 =	vadd.f32 v8, v5;
	v6 =	vmul.f32 v9, v6  }
.Ltmp0:
0x4e: {  	s6 =	simm.s32 @!p1 $0x0;
	s7 =	sshra.s32 s7, $0x2;
	(pc) =	sbr.rel @p0 .LBB2_1-.Ltmp0, $4  }
0x4f: {  	s7 =	sor.u32 s6, s7;
	(erf) = vpow2.f32 v7;
	v5 =	vadd.f32 v6, v5  }
0x50: {  	v8 =	vld [tilespmem:s7+$0x4000]  }
0x51: {  	v7 =	vld.idx.msk [tilespmem:v11+s3+$0x0], $0xffff  }
0x52: {  	s5 =	sadd.s32 $0x1, s5;
	v9 =	vld.idx.msk [tilespmem:v10+s3+$0x0], $0xffff;
	v6 =	vpop (erf)  }
0x53: {  	v10 =	vld [tilespmem:s7+$0x4080];
	_ =	sdelay $0x1  }
0x54: {  	v11 =	vmov s6  }
0x55: {  	v11 =	vshll.u32 v11, $0x9  }
0x56: {  	v2 =	vor.u32 v2, v11;
	v36 =	vand.u32 $0x7F, v8;
	v37 =	vshll.u32 v8, $0x3  }
0x57: {  	v2 =	vand.u32 $0x3000, v2;
	v8 =	vand.u32 $0xFFFFFC00, v37;
	v12 =	vshll.u32 v10, $0x3  }
0x58: {  	v7 =	vsub.f32 v7, v9;
	v8 =	vadd.s32 v2, v8;
	v38 =	vand.u32 $0xFFFFFC00, v12  }
0x59: {  	v10 =	vand.u32 $0x7F, v10;
	v8 =	vor.u32 v36, v8;
	v2 =	vadd.s32 v2, v38  }
0x5a: {  	v39 =	vand.u32 $0x7FFFFFFF, v7;
	v8 =	vor.u32 v1, v8;
	v2 =	vor.u32 v10, v2  }
0x5b: {  	v40 =	vpop (erf);
	v9 =	vsub.f32 $0.0e+00, v39;
	v41 =	vor.u32 v1, v2  }
0x5c: {  	v42 =	vadd.f32 $2.000000000e+00, v40  }
0x5d: {  	v9 =	vmul.f32 $1.442695020e+00, v9  }
0x5e: {  	(erf) = vrcp.f32 v42  }
0x5f: {  	(erf) = vpow2.f32 v9;
	v43 =	vld.idx.msk [tilespmem:v8+s3+$0x0], $0xffff  }
0x60: {  	v1 =	vld.idx.msk [tilespmem:v41+s3+$0x0], $0xffff;
	_ =	sdelay $0x4  }
0x61: {  	v1 =	vsub.f32 v43, v1;
	_ =	sdelay $0x1  }
0x62: {  	v44 =	vpop (erf);
	v45 =	vand.u32 $0x7FFFFFFF, v1  }
0x63: {  	v9 =	vpop (erf);
	v8 =	vsub.f32 $0.0e+00, v45  }
0x64: {  	v46 =	vadd.f32 $2.000000000e+00, v9  }
0x65: {  	v8 =	vmul.f32 $1.442695020e+00, v8  }
0x66: {  	(erf) = vrcp.f32 v46  }
0x67: {  	(erf) = vpow2.f32 v8;
	_ =	sdelay $0x7  }
0x68: {  	v47 =	vpop (erf)  }
0x69: {  	v4 =	vmul.f32 v6, v4;
	v49 =	vpop (erf)  }
0x6a: {  	v50 =	vadd.f32 $2.000000000e+00, v49  }
0x6b: {  	v48 =	vmul.f32 v4, v4  }
0x6c: {  	v2 =	vmul.f32 v44, v40;
	(erf) = vrcp.f32 v50  }
0x6d: {  	v13 =	vmul.f32 $2.000000030e-01, v48  }
0x6e: {  	v52 =	vmul.f32 v2, v2  }
0x6f: {  	v51 =	vadd.f32 $3.333333430e-01, v13  }
0x70: {  	v53 =	vmul.f32 $2.000000030e-01, v52  }
0x71: {  	v8 =	vmul.f32 v51, v48;
	v6 =	vmul.f32 v47, v9  }
0x72: {  	v54 =	vadd.f32 $3.333333430e-01, v53  }
0x73: {  	v4 =	vadd.f32 v4, v4;
	v8 =	vadd.f32 $1.000000000e+00, v8;
	v55 =	vmul.f32 v6, v6  }
0x74: {  	v0 =	vmax.f32 v0, $0.0e+00;
	v56 =	vmul.f32 v54, v52  }
0x75: {  	v0 =	vadd.f32 v0, v5;
	v4 =	vmul.f32 v8, v4;
	v57 =	vmul.f32 $2.000000030e-01, v55;
	v58 =	vpop (erf)  }
0x76: {  	v2 =	vadd.f32 v2, v2;
	v8 =	vadd.f32 $1.000000000e+00, v56;
	v9 =	vmul.f32 v58, v49  }
0x77: {  	v0 =	vadd.f32 v4, v0;
	v4 =	vadd.f32 $3.333333430e-01, v57  }
0x78: {  	v3 =	vmax.f32 v3, $0.0e+00;
	v59 =	vmul.f32 v9, v9  }
0x79: {  	v2 =	vmul.f32 v8, v2;
	v0 =	vadd.f32 v3, v0;
	v4 =	vmul.f32 v4, v55  }
0x7a: {  	v61 =	vadd.f32 v6, v6;
	v60 =	vmul.f32 $2.000000030e-01, v59  }
0x7b: {  	v0 =	vadd.f32 v2, v0;
	v4 =	vadd.f32 $1.000000000e+00, v4  }
0x7c: {  	v62 =	vmax.f32 v7, $0.0e+00;
	v2 =	vadd.f32 $3.333333430e-01, v60  }
0x7d: {  	v0 =	vadd.f32 v62, v0;
	v4 =	vmul.f32 v4, v61  }
0x7e: {  	v2 =	vmul.f32 v2, v59  }
0x7f: {  	v0 =	vadd.f32 v4, v0  }
0x80: {  	v63 =	vadd.f32 v9, v9;
	v2 =	vadd.f32 $1.000000000e+00, v2  }
0x81: {  	v1 =	vmax.f32 v1, $0.0e+00  }
0x82: {  	v0 =	vadd.f32 v1, v0;
	v2 =	vmul.f32 v2, v63;
	_ =	sdelay $0x1  }
0x83: {  	v0 =	vadd.f32 v2, v0  }
0x84: {  	s29 =	sshll.u32 s2, $0x4;
	s5 =	simm.s32 $0x0  }
0x85: {  	s30 =	simm.s32 $0x4100;
	s31 =	simm.s32 $0x1;
	s3 =	sadd.s32 s4, s29;
	[tilespmem:$0x4100] =	vst v0  }
0x86: {  	[hbm4b:s3+s5] =	stream.linear.scatter [tilespmem:s30], [sflag:$0x1], $0x80, $0x38;
	[tilespmem:$0x4A00] =	vst v63  }
0x87: {  	_ =	swait.ge [sflag:s31], $0x80  }
0x88: {  	[sflag:s31] =	ssyncset.done $0x0  }
0x89: {  	[sflag:s31] =	ssyncadd.s32 $0xFFFFFF80  }
0x8a: {  	p0 =	sne.s32 s2, $0x0;
	[bflag:$0x0] =	sbarrier.arrive $0xFFFF  }
0x8b: {  	_ =	sfence.sel @p0 $0x180000  }
0x8c: {  	[bflag:$0x0] =	sbarrier.arrive @p0 $0xFFFF  }
0x8d: {  	_ =	strace @p0 $0x90000047  }
0x8e: {  	s2 =	simm.s32 @!p0 $0x0;
	s3 =	simm.s32 @!p0 $0x4180;
	[bflag:$0x2] =	sbarrier.arrive @p0 $0xFFFF  }
0x8f: {  	[tilespmem:s3], [sflag:$0x1] =	stream.linear.gather @!p0 [hbm4b:s4+s2], $0x800, $0x38;
	[tilespmem:$0x4A00] =	vst v63  }
0x90: {  	s3 =	simm.s32 @!p0 $0x1  }
0x91: {  	_ =	swait.ge @!p0 [sflag:s3], $0x800  }
0x92: {  	[sflag:s3] =	ssyncset.done @!p0 $0x0  }
0x93: {  	[sflag:s3] =	ssyncadd.s32 @!p0 $0xFFFFF800  }
0x94: {  	v0 =	vld @!p0 [tilespmem:$0x4180];
	_ =	sdelay $0x1  }
0x95: {  	v1 =	vld @!p0 [tilespmem:$0x4200];
	_ =	sdelay $0x1  }
0x96: {  	v2 =	vld @!p0 [tilespmem:$0x4280]  }
0x97: {  	v0 =	vadd.f32 @!p0 $0.0e+00, v0  }
0x98: {  	v3 =	vld @!p0 [tilespmem:$0x4300]  }
0x99: {  	v0 =	vadd.f32 @!p0 v1, v0  }
0x9a: {  	v1 =	vld @!p0 [tilespmem:$0x4380]  }
0x9b: {  	v0 =	vadd.f32 @!p0 v2, v0  }
0x9c: {  	v2 =	vld @!p0 [tilespmem:$0x4400]  }
0x9d: {  	v0 =	vadd.f32 @!p0 v3, v0  }
0x9e: {  	v3 =	vld @!p0 [tilespmem:$0x4480]  }
0x9f: {  	v0 =	vadd.f32 @!p0 v1, v0  }
0xa0: {  	v1 =	vld @!p0 [tilespmem:$0x4500]  }
0xa1: {  	v0 =	vadd.f32 @!p0 v2, v0  }
0xa2: {  	v2 =	vld @!p0 [tilespmem:$0x4580]  }
0xa3: {  	v0 =	vadd.f32 @!p0 v3, v0  }
0xa4: {  	v3 =	vld @!p0 [tilespmem:$0x4600]  }
0xa5: {  	v0 =	vadd.f32 @!p0 v1, v0  }
0xa6: {  	v1 =	vld @!p0 [tilespmem:$0x4680]  }
0xa7: {  	v0 =	vadd.f32 @!p0 v2, v0  }
0xa8: {  	v2 =	vld @!p0 [tilespmem:$0x4700]  }
0xa9: {  	v0 =	vadd.f32 @!p0 v3, v0  }
0xaa: {  	v3 =	vld @!p0 [tilespmem:$0x4780]  }
0xab: {  	v0 =	vadd.f32 @!p0 v1, v0  }
0xac: {  	v1 =	vld @!p0 [tilespmem:$0x4800]  }
0xad: {  	v0 =	vadd.f32 @!p0 v2, v0  }
0xae: {  	v2 =	vld @!p0 [tilespmem:$0x4880]  }
0xaf: {  	v0 =	vadd.f32 @!p0 v3, v0  }
0xb0: {  	v3 =	vld @!p0 [tilespmem:$0x4900]  }
0xb1: {  	v0 =	vadd.f32 @!p0 v1, v0;
	_ =	sdelay $0x1  }
0xb2: {  	v0 =	vadd.f32 @!p0 v2, v0;
	_ =	sdelay $0x1  }
0xb3: {  	v0 =	vadd.f32 @!p0 v3, v0;
	_ =	sdelay $0x1  }
0xb4: {  	(xrf2) =	vadd.scan.msk.f32 @!p0 $0xffff, v0;
	_ =	sdelay $0x9  }
0xb5: {  	v0, _, _ =	vpop @!p0 (xrf2)  }
0xb6: {  	(v2sf) =	vpush @!p0 v0, $0xF;
	_ =	sdelay $0xe  }
0xb7: {  	s4 =	spop @!p0 (v2sf)  }
0xb8: {  	s4 =	smul.f32 @!p0 $6.510416860e-04, s4;
	_ =	sdelay $0x1  }
0xb9: {  	v0 =	vmov @!p0 s4  }
0xba: {  	s4 =	simm.s32 @!p0 $0x4980;
	[tilespmem:$0x4980] =	vst @!p0 v0  }
0xbb: {  	[hbm4b:s1+s2] =	stream.linear.scatter @!p0 [tilespmem:s4], [sflag:$0x1], $0x80, $0x38;
	[tilespmem:$0x4A00] =	vst v63  }
0xbc: {  	_ =	swait.ge @!p0 [sflag:s3], $0x80  }
0xbd: {  	[sflag:s3] =	ssyncset.done @!p0 $0x0  }
0xbe: {  	[sflag:s3] =	ssyncadd.s32 @!p0 $0xFFFFFF80  }
0xbf: {  	_ =	sfence.sel @!p0 $0x180000  }
0xc0: {  	[bflag:$0x0] =	sbarrier.arrive @!p0 $0xFFFF  }
0xc1: {  	_ =	strace @!p0 $0x90000047  }
0xc2: {  	s0 =	sadd.s32 @!p0 $0x100000, s0;
	[bflag:$0x2] =	sbarrier.arrive @!p0 $0xFFFF  }
0xc3: {  	[sflag:s0] =	ssyncadd.tile.s32 @!p0 $0x1;
	_ =	shalt  }
.Lfunc_end2:
_tile_overlayer_lowered:
.L_overlay_start_2:
0xc4: {  	(tag) =	ssettag $0x2  }
0xc5: {  	s0 =	rddreg [dreg:$0x0];
	s2 =	stileid.u32  }
0xc6: {  	s1 =	rddreg [dreg:$0x1];
	p0 =	sne.s32 s2, $0x0  }
0xc7: {  	s3 =	rddreg [dreg:$0x2];
	[bflag:$0x3] =	sbarrier.arrive $0xFFFF;
	s2 =	simm.s32 @!p0 $0x1C01  }
0xc8: {  	[timem:s3], [sflag:s2] =	dma.local @!p0 [hbm:s0], s1  }
0xc9: {  	s0 =	simm.s32 @!p0 $0x1  }
0xca: {  	_ =	swait.ge @!p0 [sflag:s0], s1  }
0xcb: {  	s1 =	ssub.s32 @!p0 $0x0, s1;
	[sflag:s0] =	ssyncset.done @!p0 $0x0  }
0xcc: {  	[sflag:s0] =	ssyncadd.s32 @!p0 s1  }
0xcd: {  	[bflag:$0x3] =	sbarrier.arrive $0xFFFF  }
0xce: {  	_ =	shalt  }

</sc_bundles>
